<compile_context>
chip_gen: v7x
topology: tpu7x:2x2x1
jax: 0.10.2.dev20260603
libtpu: 0.0.44.dev20260713+nightly
codegen_flags: <defaults>
</compile_context>

<pallas_src>
import functools

import jax
import jax.numpy as jnp
from jax import lax
from jax.experimental import pallas as pl
from jax.experimental.pallas import tpu as pltpu
from jax.experimental.pallas import tpu_sc as plsc

VOCAB = 100000
EMB = 64
HID = 512
NGRAM = 8
BATCH = 64
LOOKUPS = BATCH * NGRAM

VTILE = 2048
NFULL = VOCAB // VTILE
TAIL = VOCAB - NFULL * VTILE
NBUF = 4
NOBUF = 2


@functools.lru_cache(maxsize=None)
def _make_gather():
    info = plsc.get_sparse_core_info()
    nw = info.num_cores * info.num_subcores
    per_w = LOOKUPS // nw
    mesh = plsc.VectorSubcoreMesh(core_axis_name="c", subcore_axis_name="s")

    @functools.partial(
        pl.kernel,
        mesh=mesh,
        out_type=jax.ShapeDtypeStruct((LOOKUPS, EMB), jnp.float32),
        scratch_types=[
            pltpu.VMEM((per_w,), jnp.int32),
            pltpu.VMEM((per_w, EMB), jnp.float32),
            pltpu.SemaphoreType.DMA,
        ],
        compiler_params=pltpu.CompilerParams(use_tc_tiling_on_sc=False),
    )
    def gather(table_hbm, idx_hbm, out_hbm, idx_v, rows_v, sem):
        wid = lax.axis_index("s") * info.num_cores + lax.axis_index("c")
        base = wid * per_w
        pltpu.sync_copy(idx_hbm.at[pl.ds(base, per_w)], idx_v)
        pltpu.async_copy(table_hbm.at[idx_v], rows_v, sem).wait()
        pltpu.sync_copy(rows_v, out_hbm.at[pl.ds(base, per_w)])

    return gather


def _mlp_body(h0_ref, W1_ref, b1_ref, b2m_ref, b2t_ref, w2_hbm, out_hbm,
              h_scr, w2buf, obuf, tailbuf, otailbuf, insem, outsem, tailsem):
    for k in range(NBUF):
        pltpu.make_async_copy(
            w2_hbm.at[:, pl.ds(k * VTILE, VTILE)], w2buf.at[k], insem.at[k]
        ).start()

    h = jnp.dot(h0_ref[...], W1_ref[...],
                preferred_element_type=jnp.float32) + b1_ref[...]
    h_scr[...] = jnp.maximum(h, 0.0)

    def step(t, _):
        slot = lax.rem(t, NBUF)
        oslot = lax.rem(t, NOBUF)
        pltpu.make_async_copy(
            w2_hbm.at[:, pl.ds(t * VTILE, VTILE)], w2buf.at[slot],
            insem.at[slot]).wait()

        @pl.when(t >= NOBUF)
        def _():
            pltpu.make_async_copy(
                obuf.at[oslot],
                out_hbm.at[:, pl.ds((t - NOBUF) * VTILE, VTILE)],
                outsem.at[oslot]).wait()

        obuf[oslot] = (
            jnp.dot(h_scr[...], w2buf[slot],
                    preferred_element_type=jnp.float32)
            + b2m_ref[t]
        )
        pltpu.make_async_copy(
            obuf.at[oslot], out_hbm.at[:, pl.ds(t * VTILE, VTILE)],
            outsem.at[oslot]).start()

        @pl.when(t + NBUF < NFULL)
        def _():
            pltpu.make_async_copy(
                w2_hbm.at[:, pl.ds((t + NBUF) * VTILE, VTILE)],
                w2buf.at[slot], insem.at[slot]).start()

        @pl.when(t + NBUF == NFULL)
        def _():
            pltpu.make_async_copy(
                w2_hbm.at[:, pl.ds(NFULL * VTILE, TAIL)],
                tailbuf, tailsem).start()

        return 0

    lax.fori_loop(0, NFULL, step, 0)

    pltpu.make_async_copy(
        w2_hbm.at[:, pl.ds(NFULL * VTILE, TAIL)], tailbuf, tailsem).wait()
    for t in (NFULL - 2, NFULL - 1):
        pltpu.make_async_copy(
            obuf.at[t % NOBUF], out_hbm.at[:, pl.ds(t * VTILE, VTILE)],
            outsem.at[t % NOBUF]).wait()
    otailbuf[...] = (
        jnp.dot(h_scr[...], tailbuf[...],
                preferred_element_type=jnp.float32)
        + b2t_ref[...]
    )
    cp = pltpu.make_async_copy(
        otailbuf, out_hbm.at[:, pl.ds(NFULL * VTILE, TAIL)], outsem.at[0])
    cp.start()
    cp.wait()


def kernel(x, emb, W1, b1, W2, b2):
    idx = x.reshape(-1).astype(jnp.int32)
    rows = _make_gather()(emb, idx)
    h0 = rows.reshape(BATCH, NGRAM * EMB)

    out = pl.pallas_call(
        _mlp_body,
        in_specs=[
            pl.BlockSpec(memory_space=pltpu.MemorySpace.VMEM),
            pl.BlockSpec(memory_space=pltpu.MemorySpace.VMEM),
            pl.BlockSpec(memory_space=pltpu.MemorySpace.VMEM),
            pl.BlockSpec(memory_space=pltpu.MemorySpace.VMEM),
            pl.BlockSpec(memory_space=pltpu.MemorySpace.VMEM),
            pl.BlockSpec(memory_space=pltpu.MemorySpace.HBM),
        ],
        out_specs=pl.BlockSpec(memory_space=pltpu.MemorySpace.HBM),
        out_shape=jax.ShapeDtypeStruct((BATCH, VOCAB), jnp.float32),
        scratch_shapes=[
            pltpu.VMEM((BATCH, HID), jnp.float32),
            pltpu.VMEM((NBUF, HID, VTILE), jnp.float32),
            pltpu.VMEM((NOBUF, BATCH, VTILE), jnp.float32),
            pltpu.VMEM((HID, TAIL), jnp.float32),
            pltpu.VMEM((BATCH, TAIL), jnp.float32),
            pltpu.SemaphoreType.DMA((NBUF,)),
            pltpu.SemaphoreType.DMA((NOBUF,)),
            pltpu.SemaphoreType.DMA,
        ],
        compiler_params=pltpu.CompilerParams(
            vmem_limit_bytes=100 * 1024 * 1024),
    )(h0, W1, b1.reshape(1, HID),
      b2[:NFULL * VTILE].reshape(NFULL, 1, VTILE),
      b2[NFULL * VTILE:].reshape(1, TAIL), W2)
    return out

# --- scband reference (transcript-rebuilt; emitter-appended) ---
"""Pipeline reference for scband-ffnnlanguage-model-22488448762212 (READ-ONLY COPY).

The authoritative reference and input builder live on the scoring server;
editing this copy changes nothing except your own understanding.
"""

import jax, jax.numpy as jnp
import numpy as np

VOCAB = 100000
EMB = 64
HID = 512
NGRAM = 8
BATCH = 64

def setup_inputs(seed: int = 0) -> dict:
    key = jax.random.key(seed)
    ks = jax.random.split(key, 6)
    x = jax.random.randint(ks[0], (BATCH, NGRAM), 0, VOCAB, dtype=jnp.int64 if jax.config.jax_enable_x64 else jnp.int32)
    emb = jax.random.normal(ks[1], (VOCAB, EMB), dtype=jnp.float32) * 0.02
    W1 = jax.random.normal(ks[2], (NGRAM * EMB, HID), dtype=jnp.float32) * 0.02
    b1 = jnp.zeros((HID,), dtype=jnp.float32)
    W2 = jax.random.normal(ks[3], (HID, VOCAB), dtype=jnp.float32) * 0.02
    b2 = jnp.zeros((VOCAB,), dtype=jnp.float32)
    return {"x": x, "emb": emb, "W1": W1, "b1": b1, "W2": W2, "b2": b2}

def reference(x, emb, W1, b1, W2, b2):
    # embedding lookup -> flatten n-gram context
    h = jnp.take(emb, x, axis=0).reshape(x.shape[0], -1)
    # fc1 + relu
    h = jax.nn.relu(h @ W1 + b1)
    # dropout is identity at inference (p=0.2 train-only)
    # fc2 -> logits over vocab
    out = h @ W2 + b2
    return out

if __name__ == "__main__":
    import jax
    _d = setup_inputs()
    print(jax.jit(kernel)(*tuple(_d.values())))

</pallas_src>

<mosaic_0001>
#map = affine_map<(d0, d1) -> (0, 0)>
#map1 = affine_map<(d0, d1) -> (0)>
module attributes {stable_mosaic.version = 14 : i64} {
  func.func @gather(%arg0: i32, %arg1: i32, %arg2: memref<100000x64xf32, #tpu.memory_space<hbm>>, %arg3: memref<512xi32, #tpu.memory_space<hbm>>, %arg4: memref<512x64xf32, #tpu.memory_space<hbm>>, %arg5: memref<16xi32, #tpu.memory_space<vmem>>, %arg6: memref<16x64xf32, #tpu.memory_space<vmem>>, %arg7: memref<!tpu.dma_semaphore, #tpu.memory_space<semaphore_mem>>) attributes {dimension_semantics = [#tpu.dimension_semantics<core_parallel>, #tpu.dimension_semantics<subcore_parallel>], iteration_bounds = array<i64: 2, 16>, scalar_prefetch = 0 : i64, scratch_operands = 3 : i64, tpu.core_type = #tpu.core_type<sc_vector_subcore>, window_params = [{transform_indices = #map}, {transform_indices = #map1}, {transform_indices = #map}]} {
    %mul3A = arith.constant 2 : i32
    %mul3A_0 = arith.muli %arg1, %mul3A : i32
    %add3A = arith.addi %mul3A_0, %arg0 : i32
    %mul3A_1 = arith.constant 16 : i32
    %mul3A_2 = arith.muli %add3A, %mul3A_1 : i32
    "tpu.region"() ({
      %run_scoped3A = tpu.sem_alloc : memref<!tpu.dma_semaphore, #tpu.memory_space<semaphore_mem>>
      %dma_start3A_7 = tpu.memref_slice %arg3[%mul3A_2] : memref<512xi32, #tpu.memory_space<hbm>> -> memref<16xi32, #tpu.memory_space<hbm>>
      %dma_start3A_8 = tpu.memref_slice %arg3[%mul3A_2] : memref<512xi32, #tpu.memory_space<hbm>> -> memref<16xi32, #tpu.memory_space<hbm>>
      tpu.enqueue_dma source(%dma_start3A_8 : memref<16xi32, #tpu.memory_space<hbm>>) target(%arg5 : memref<16xi32, #tpu.memory_space<vmem>>) target_semaphore(%run_scoped3A : memref<!tpu.dma_semaphore, #tpu.memory_space<semaphore_mem>>)
      %dma_wait3A_9 = tpu.memref_slice %arg3[%mul3A_2] : memref<512xi32, #tpu.memory_space<hbm>> -> memref<16xi32, #tpu.memory_space<hbm>>
      %dma_wait3A_10 = tpu.memref_slice %arg3[%mul3A_2] : memref<512xi32, #tpu.memory_space<hbm>> -> memref<16xi32, #tpu.memory_space<hbm>>
      tpu.wait_dma2 semaphore(%run_scoped3A : memref<!tpu.dma_semaphore, #tpu.memory_space<semaphore_mem>>) src(%dma_wait3A_10 : memref<16xi32, #tpu.memory_space<hbm>>) dst(%arg5 : memref<16xi32, #tpu.memory_space<vmem>>)
      tpu.yield
    }) : () -> ()
    %dma_start3A = arith.constant 0 : i32
    %dma_start3A_3 = arith.constant 0 : i32
    %dma_start3A_4 = tpu.memref_slice %arg2[%dma_start3A, %dma_start3A_3] : memref<100000x64xf32, #tpu.memory_space<hbm>> -> memref<100000x64xf32, #tpu.memory_space<hbm>>
    tpu.enqueue_indirect_dma source(%dma_start3A_4 : memref<100000x64xf32, #tpu.memory_space<hbm>>) target(%arg6 : memref<16x64xf32, #tpu.memory_space<vmem>>) offsets(%arg5 : memref<16xi32, #tpu.memory_space<vmem>>) semaphore(%arg7 : memref<!tpu.dma_semaphore, #tpu.memory_space<semaphore_mem>>)
    %dma_wait3A = arith.constant 0 : i32
    %dma_wait3A_5 = arith.constant 0 : i32
    %dma_wait3A_6 = tpu.memref_slice %arg2[%dma_wait3A, %dma_wait3A_5] : memref<100000x64xf32, #tpu.memory_space<hbm>> -> memref<100000x64xf32, #tpu.memory_space<hbm>>
    tpu.wait_indirect_dma semaphore(%arg7 : memref<!tpu.dma_semaphore, #tpu.memory_space<semaphore_mem>>) src(%dma_wait3A_6 : memref<100000x64xf32, #tpu.memory_space<hbm>>) dst(%arg6 : memref<16x64xf32, #tpu.memory_space<vmem>>)
    "tpu.region"() ({
      %run_scoped3A = tpu.sem_alloc : memref<!tpu.dma_semaphore, #tpu.memory_space<semaphore_mem>>
      %dma_start3A_7 = arith.constant 0 : i32
      %dma_start3A_8 = tpu.memref_slice %arg4[%mul3A_2, %dma_start3A_7] : memref<512x64xf32, #tpu.memory_space<hbm>> -> memref<16x64xf32, #tpu.memory_space<hbm>>
      %dma_start3A_9 = arith.constant 0 : i32
      %dma_start3A_10 = tpu.memref_slice %arg4[%mul3A_2, %dma_start3A_9] : memref<512x64xf32, #tpu.memory_space<hbm>> -> memref<16x64xf32, #tpu.memory_space<hbm>>
      tpu.enqueue_dma source(%arg6 : memref<16x64xf32, #tpu.memory_space<vmem>>) target(%dma_start3A_10 : memref<16x64xf32, #tpu.memory_space<hbm>>) target_semaphore(%run_scoped3A : memref<!tpu.dma_semaphore, #tpu.memory_space<semaphore_mem>>)
      %dma_wait3A_11 = arith.constant 0 : i32
      %dma_wait3A_12 = tpu.memref_slice %arg4[%mul3A_2, %dma_wait3A_11] : memref<512x64xf32, #tpu.memory_space<hbm>> -> memref<16x64xf32, #tpu.memory_space<hbm>>
      %dma_wait3A_13 = arith.constant 0 : i32
      %dma_wait3A_14 = tpu.memref_slice %arg4[%mul3A_2, %dma_wait3A_13] : memref<512x64xf32, #tpu.memory_space<hbm>> -> memref<16x64xf32, #tpu.memory_space<hbm>>
      tpu.wait_dma2 semaphore(%run_scoped3A : memref<!tpu.dma_semaphore, #tpu.memory_space<semaphore_mem>>) src(%arg6 : memref<16x64xf32, #tpu.memory_space<vmem>>) dst(%dma_wait3A_14 : memref<16x64xf32, #tpu.memory_space<hbm>>)
      tpu.yield
    }) : () -> ()
    return
  }
}

module attributes {stable_mosaic.version = 14 : i64} {
  func.func @_mlp_body(%arg0: memref<64x512xf32, #tpu.memory_space<vmem>>, %arg1: memref<512x512xf32, #tpu.memory_space<vmem>>, %arg2: memref<1x512xf32, #tpu.memory_space<vmem>>, %arg3: memref<48x1x2048xf32, #tpu.memory_space<vmem>>, %arg4: memref<1x1696xf32, #tpu.memory_space<vmem>>, %arg5: memref<512x100000xf32, #tpu.memory_space<hbm>>, %arg6: memref<64x100000xf32, #tpu.memory_space<hbm>>, %arg7: memref<64x512xf32, #tpu.memory_space<vmem>>, %arg8: memref<4x512x2048xf32, #tpu.memory_space<vmem>>, %arg9: memref<2x64x2048xf32, #tpu.memory_space<vmem>>, %arg10: memref<512x1696xf32, #tpu.memory_space<vmem>>, %arg11: memref<64x1696xf32, #tpu.memory_space<vmem>>, %arg12: memref<4x!tpu.dma_semaphore, #tpu.memory_space<semaphore_mem>>, %arg13: memref<2x!tpu.dma_semaphore, #tpu.memory_space<semaphore_mem>>, %arg14: memref<!tpu.dma_semaphore, #tpu.memory_space<semaphore_mem>>) attributes {dimension_semantics = [], scalar_prefetch = 0 : i64, scratch_operands = 8 : i64, tpu.core_type = #tpu.core_type<tc>} {
    %dma_start3A = arith.constant 0 : i32
    %dma_start3A_0 = arith.constant 0 : i32
    %dma_start3A_1 = tpu.memref_slice %arg12[%dma_start3A_0] : memref<4x!tpu.dma_semaphore, #tpu.memory_space<semaphore_mem>> -> memref<1x!tpu.dma_semaphore, #tpu.memory_space<semaphore_mem>>
    %dma_start3A_2 = tpu.memref_squeeze %dma_start3A_1 : memref<1x!tpu.dma_semaphore, #tpu.memory_space<semaphore_mem>> -> memref<!tpu.dma_semaphore, #tpu.memory_space<semaphore_mem>>
    %dma_start3A_3 = arith.constant 0 : i32
    %dma_start3A_4 = arith.constant 0 : i32
    %dma_start3A_5 = tpu.memref_slice %arg8[%dma_start3A, %dma_start3A_3, %dma_start3A_4] : memref<4x512x2048xf32, #tpu.memory_space<vmem>> -> memref<1x512x2048xf32, #tpu.memory_space<vmem>>
    %dma_start3A_6 = tpu.memref_squeeze %dma_start3A_5 : memref<1x512x2048xf32, #tpu.memory_space<vmem>> -> memref<512x2048xf32, #tpu.memory_space<vmem>>
    %dma_start3A_7 = arith.constant 0 : i32
    %dma_start3A_8 = arith.constant 0 : i32
    %dma_start3A_9 = tpu.memref_slice %arg5[%dma_start3A_7, %dma_start3A_8] : memref<512x100000xf32, #tpu.memory_space<hbm>> -> memref<512x2048xf32, #tpu.memory_space<hbm>>
    tpu.enqueue_dma source(%dma_start3A_9 : memref<512x2048xf32, #tpu.memory_space<hbm>>) target(%dma_start3A_6 : memref<512x2048xf32, #tpu.memory_space<vmem>>) target_semaphore(%dma_start3A_2 : memref<!tpu.dma_semaphore, #tpu.memory_space<semaphore_mem>>)
    %dma_start3A_10 = arith.constant 1 : i32
    %dma_start3A_11 = arith.constant 1 : i32
    %dma_start3A_12 = tpu.memref_slice %arg12[%dma_start3A_11] : memref<4x!tpu.dma_semaphore, #tpu.memory_space<semaphore_mem>> -> memref<1x!tpu.dma_semaphore, #tpu.memory_space<semaphore_mem>>
    %dma_start3A_13 = tpu.memref_squeeze %dma_start3A_12 : memref<1x!tpu.dma_semaphore, #tpu.memory_space<semaphore_mem>> -> memref<!tpu.dma_semaphore, #tpu.memory_space<semaphore_mem>>
    %dma_start3A_14 = arith.constant 0 : i32
    %dma_start3A_15 = arith.constant 0 : i32
    %dma_start3A_16 = tpu.memref_slice %arg8[%dma_start3A_10, %dma_start3A_14, %dma_start3A_15] : memref<4x512x2048xf32, #tpu.memory_space<vmem>> -> memref<1x512x2048xf32, #tpu.memory_space<vmem>>
    %dma_start3A_17 = tpu.memref_squeeze %dma_start3A_16 : memref<1x512x2048xf32, #tpu.memory_space<vmem>> -> memref<512x2048xf32, #tpu.memory_space<vmem>>
    %dma_start3A_18 = arith.constant 0 : i32
    %dma_start3A_19 = arith.constant 2048 : i32
    %dma_start3A_20 = tpu.memref_slice %arg5[%dma_start3A_18, %dma_start3A_19] : memref<512x100000xf32, #tpu.memory_space<hbm>> -> memref<512x2048xf32, #tpu.memory_space<hbm>>
    tpu.enqueue_dma source(%dma_start3A_20 : memref<512x2048xf32, #tpu.memory_space<hbm>>) target(%dma_start3A_17 : memref<512x2048xf32, #tpu.memory_space<vmem>>) target_semaphore(%dma_start3A_13 : memref<!tpu.dma_semaphore, #tpu.memory_space<semaphore_mem>>)
    %dma_start3A_21 = arith.constant 2 : i32
    %dma_start3A_22 = arith.constant 2 : i32
    %dma_start3A_23 = tpu.memref_slice %arg12[%dma_start3A_22] : memref<4x!tpu.dma_semaphore, #tpu.memory_space<semaphore_mem>> -> memref<1x!tpu.dma_semaphore, #tpu.memory_space<semaphore_mem>>
    %dma_start3A_24 = tpu.memref_squeeze %dma_start3A_23 : memref<1x!tpu.dma_semaphore, #tpu.memory_space<semaphore_mem>> -> memref<!tpu.dma_semaphore, #tpu.memory_space<semaphore_mem>>
    %dma_start3A_25 = arith.constant 0 : i32
    %dma_start3A_26 = arith.constant 0 : i32
    %dma_start3A_27 = tpu.memref_slice %arg8[%dma_start3A_21, %dma_start3A_25, %dma_start3A_26] : memref<4x512x2048xf32, #tpu.memory_space<vmem>> -> memref<1x512x2048xf32, #tpu.memory_space<vmem>>
    %dma_start3A_28 = tpu.memref_squeeze %dma_start3A_27 : memref<1x512x2048xf32, #tpu.memory_space<vmem>> -> memref<512x2048xf32, #tpu.memory_space<vmem>>
    %dma_start3A_29 = arith.constant 0 : i32
    %dma_start3A_30 = arith.constant 4096 : i32
    %dma_start3A_31 = tpu.memref_slice %arg5[%dma_start3A_29, %dma_start3A_30] : memref<512x100000xf32, #tpu.memory_space<hbm>> -> memref<512x2048xf32, #tpu.memory_space<hbm>>
    tpu.enqueue_dma source(%dma_start3A_31 : memref<512x2048xf32, #tpu.memory_space<hbm>>) target(%dma_start3A_28 : memref<512x2048xf32, #tpu.memory_space<vmem>>) target_semaphore(%dma_start3A_24 : memref<!tpu.dma_semaphore, #tpu.memory_space<semaphore_mem>>)
    %dma_start3A_32 = arith.constant 3 : i32
    %dma_start3A_33 = arith.constant 3 : i32
    %dma_start3A_34 = tpu.memref_slice %arg12[%dma_start3A_33] : memref<4x!tpu.dma_semaphore, #tpu.memory_space<semaphore_mem>> -> memref<1x!tpu.dma_semaphore, #tpu.memory_space<semaphore_mem>>
    %dma_start3A_35 = tpu.memref_squeeze %dma_start3A_34 : memref<1x!tpu.dma_semaphore, #tpu.memory_space<semaphore_mem>> -> memref<!tpu.dma_semaphore, #tpu.memory_space<semaphore_mem>>
    %dma_start3A_36 = arith.constant 0 : i32
    %dma_start3A_37 = arith.constant 0 : i32
    %dma_start3A_38 = tpu.memref_slice %arg8[%dma_start3A_32, %dma_start3A_36, %dma_start3A_37] : memref<4x512x2048xf32, #tpu.memory_space<vmem>> -> memref<1x512x2048xf32, #tpu.memory_space<vmem>>
    %dma_start3A_39 = tpu.memref_squeeze %dma_start3A_38 : memref<1x512x2048xf32, #tpu.memory_space<vmem>> -> memref<512x2048xf32, #tpu.memory_space<vmem>>
    %dma_start3A_40 = arith.constant 0 : i32
    %dma_start3A_41 = arith.constant 6144 : i32
    %dma_start3A_42 = tpu.memref_slice %arg5[%dma_start3A_40, %dma_start3A_41] : memref<512x100000xf32, #tpu.memory_space<hbm>> -> memref<512x2048xf32, #tpu.memory_space<hbm>>
    tpu.enqueue_dma source(%dma_start3A_42 : memref<512x2048xf32, #tpu.memory_space<hbm>>) target(%dma_start3A_39 : memref<512x2048xf32, #tpu.memory_space<vmem>>) target_semaphore(%dma_start3A_35 : memref<!tpu.dma_semaphore, #tpu.memory_space<semaphore_mem>>)
    %get3A = arith.constant 0 : index
    %get3A_43 = arith.constant 0 : index
    %get3A_44 = vector.load %arg0[%get3A, %get3A_43] : memref<64x512xf32, #tpu.memory_space<vmem>>, vector<64x512xf32>
    %get3A_45 = arith.constant 0 : index
    %get3A_46 = arith.constant 0 : index
    %get3A_47 = vector.load %arg1[%get3A_45, %get3A_46] : memref<512x512xf32, #tpu.memory_space<vmem>>, vector<512x512xf32>
    %dot_general3A = arith.constant dense<0.000000e+00> : vector<64x512xf32>
    %dot_general3A_48 = tpu.matmul %get3A_44, %get3A_47, %dot_general3A {dimension_numbers = #tpu.dot_dimension_numbers<[1], [0], [0], [1], [0, 0, 1, 1], [], []>, transpose_lhs_hint = false} : vector<64x512xf32>, vector<512x512xf32>, vector<64x512xf32> -> vector<64x512xf32>
    %get3A_49 = arith.constant 0 : index
    %get3A_50 = arith.constant 0 : index
    %get3A_51 = vector.load %arg2[%get3A_49, %get3A_50] : memref<1x512xf32, #tpu.memory_space<vmem>>, vector<1x512xf32>
    %add3A = vector.broadcast %get3A_51 : vector<1x512xf32> to vector<64x512xf32>
    %add3A_52 = arith.addf %dot_general3A_48, %add3A : vector<64x512xf32>
    %max3A = arith.constant 0.000000e+00 : f32
    %max3A_53 = vector.broadcast %max3A : f32 to vector<64x512xf32>
    %max3A_54 = arith.maximumf %add3A_52, %max3A_53 : vector<64x512xf32>
    %swap3A = arith.constant 0 : index
    %swap3A_55 = arith.constant 0 : index
    %swap3A_56 = vector.load %arg7[%swap3A, %swap3A_55] : memref<64x512xf32, #tpu.memory_space<vmem>>, vector<64x512xf32>
    tpu.vector_store %arg7[%swap3A, %swap3A_55], %max3A_54 {strides = array<i32>} : memref<64x512xf32, #tpu.memory_space<vmem>>, vector<64x512xf32>,
    %scan3A = arith.constant 0 : i32
    %scan3A_57 = arith.constant 48 : i32
    %scan3A_58 = arith.addi %scan3A, %scan3A_57 : i32
    %scan3A_59 = arith.constant 1 : i32
    scf.for %scan3A_113 = %scan3A to %scan3A_58 step %scan3A_59  : i32 {
      %rem3A = arith.constant 4 : i32
      %rem3A_114 = arith.remsi %scan3A_113, %rem3A : i32
      %rem3A_115 = arith.constant 2 : i32
      %rem3A_116 = arith.remsi %scan3A_113, %rem3A_115 : i32
      %mul3A = arith.constant 2048 : i32
      %mul3A_117 = arith.muli %scan3A_113, %mul3A : i32
      %dma_wait3A_118 = tpu.memref_slice %arg12[%rem3A_114] : memref<4x!tpu.dma_semaphore, #tpu.memory_space<semaphore_mem>> -> memref<1x!tpu.dma_semaphore, #tpu.memory_space<semaphore_mem>>
      %dma_wait3A_119 = tpu.memref_squeeze %dma_wait3A_118 : memref<1x!tpu.dma_semaphore, #tpu.memory_space<semaphore_mem>> -> memref<!tpu.dma_semaphore, #tpu.memory_space<semaphore_mem>>
      %dma_wait3A_120 = arith.constant 0 : i32
      %dma_wait3A_121 = arith.constant 0 : i32
      %dma_wait3A_122 = tpu.memref_slice %arg8[%rem3A_114, %dma_wait3A_120, %dma_wait3A_121] : memref<4x512x2048xf32, #tpu.memory_space<vmem>> -> memref<1x512x2048xf32, #tpu.memory_space<vmem>>
      %dma_wait3A_123 = tpu.memref_squeeze %dma_wait3A_122 : memref<1x512x2048xf32, #tpu.memory_space<vmem>> -> memref<512x2048xf32, #tpu.memory_space<vmem>>
      %dma_wait3A_124 = arith.constant 0 : i32
      %dma_wait3A_125 = tpu.memref_slice %arg5[%dma_wait3A_124, %mul3A_117] : memref<512x100000xf32, #tpu.memory_space<hbm>> -> memref<512x2048xf32, #tpu.memory_space<hbm>>
      tpu.wait_dma2 semaphore(%dma_wait3A_119 : memref<!tpu.dma_semaphore, #tpu.memory_space<semaphore_mem>>) src(%dma_wait3A_125 : memref<512x2048xf32, #tpu.memory_space<hbm>>) dst(%dma_wait3A_123 : memref<512x2048xf32, #tpu.memory_space<vmem>>)
      %ge3A = arith.constant 2 : i32
      %ge3A_126 = arith.cmpi sge, %scan3A_113, %ge3A : i32
      %convert_element_type3A = arith.extui %ge3A_126 : i1 to i32
      %cond3A = arith.constant 0 : i32
      %cond3A_127 = arith.cmpi ne, %convert_element_type3A, %cond3A : i32
      scf.if %cond3A_127 {
        %sub3A = arith.constant 2 : i32
        %sub3A_173 = arith.subi %scan3A_113, %sub3A : i32
        %mul3A_174 = arith.constant 2048 : i32
        %mul3A_175 = arith.muli %sub3A_173, %mul3A_174 : i32
        %dma_wait3A_176 = tpu.memref_slice %arg13[%rem3A_116] : memref<2x!tpu.dma_semaphore, #tpu.memory_space<semaphore_mem>> -> memref<1x!tpu.dma_semaphore, #tpu.memory_space<semaphore_mem>>
        %dma_wait3A_177 = tpu.memref_squeeze %dma_wait3A_176 : memref<1x!tpu.dma_semaphore, #tpu.memory_space<semaphore_mem>> -> memref<!tpu.dma_semaphore, #tpu.memory_space<semaphore_mem>>
        %dma_wait3A_178 = arith.constant 0 : i32
        %dma_wait3A_179 = tpu.memref_slice %arg6[%dma_wait3A_178, %mul3A_175] : memref<64x100000xf32, #tpu.memory_space<hbm>> -> memref<64x2048xf32, #tpu.memory_space<hbm>>
        %dma_wait3A_180 = arith.constant 0 : i32
        %dma_wait3A_181 = arith.constant 0 : i32
        %dma_wait3A_182 = tpu.memref_slice %arg9[%rem3A_116, %dma_wait3A_180, %dma_wait3A_181] : memref<2x64x2048xf32, #tpu.memory_space<vmem>> -> memref<1x64x2048xf32, #tpu.memory_space<vmem>>
        %dma_wait3A_183 = tpu.memref_squeeze %dma_wait3A_182 : memref<1x64x2048xf32, #tpu.memory_space<vmem>> -> memref<64x2048xf32, #tpu.memory_space<vmem>>
        tpu.wait_dma2 semaphore(%dma_wait3A_177 : memref<!tpu.dma_semaphore, #tpu.memory_space<semaphore_mem>>) src(%dma_wait3A_183 : memref<64x2048xf32, #tpu.memory_space<vmem>>) dst(%dma_wait3A_179 : memref<64x2048xf32, #tpu.memory_space<hbm>>)
      } else {
      }
      %get3A_128 = arith.constant 0 : index
      %get3A_129 = arith.constant 0 : index
      %get3A_130 = vector.load %arg7[%get3A_128, %get3A_129] : memref<64x512xf32, #tpu.memory_space<vmem>>, vector<64x512xf32>
      %get3A_131 = arith.index_cast %rem3A_114 : i32 to index
      %get3A_132 = arith.constant 0 : index
      %get3A_133 = arith.constant 0 : index
      %get3A_134 = vector.load %arg8[%get3A_131, %get3A_132, %get3A_133] : memref<4x512x2048xf32, #tpu.memory_space<vmem>>, vector<1x512x2048xf32>
      %get3A_135 = vector.shape_cast %get3A_134 : vector<1x512x2048xf32> to vector<512x2048xf32>
      %dot_general3A_136 = arith.constant dense<0.000000e+00> : vector<64x2048xf32>
      %dot_general3A_137 = tpu.matmul %get3A_130, %get3A_135, %dot_general3A_136 {dimension_numbers = #tpu.dot_dimension_numbers<[1], [0], [0], [1], [0, 0, 1, 1], [], []>, transpose_lhs_hint = false} : vector<64x512xf32>, vector<512x2048xf32>, vector<64x2048xf32> -> vector<64x2048xf32>
      %get3A_138 = arith.index_cast %scan3A_113 : i32 to index
      %get3A_139 = arith.constant 0 : index
      %get3A_140 = arith.constant 0 : index
      %get3A_141 = vector.load %arg3[%get3A_138, %get3A_139, %get3A_140] : memref<48x1x2048xf32, #tpu.memory_space<vmem>>, vector<1x1x2048xf32>
      %get3A_142 = vector.shape_cast %get3A_141 : vector<1x1x2048xf32> to vector<1x2048xf32>
      %add3A_143 = vector.broadcast %get3A_142 : vector<1x2048xf32> to vector<64x2048xf32>
      %add3A_144 = arith.addf %dot_general3A_137, %add3A_143 : vector<64x2048xf32>
      %swap3A_145 = arith.index_cast %rem3A_116 : i32 to index
      %swap3A_146 = arith.constant 0 : index
      %swap3A_147 = arith.constant 0 : index
      %swap3A_148 = vector.load %arg9[%swap3A_145, %swap3A_146, %swap3A_147] : memref<2x64x2048xf32, #tpu.memory_space<vmem>>, vector<1x64x2048xf32>
      %swap3A_149 = vector.shape_cast %swap3A_148 : vector<1x64x2048xf32> to vector<64x2048xf32>
      %swap3A_150 = vector.shape_cast %add3A_144 : vector<64x2048xf32> to vector<1x64x2048xf32>
      tpu.vector_store %arg9[%swap3A_145, %swap3A_146, %swap3A_147], %swap3A_150 {strides = array<i32>} : memref<2x64x2048xf32, #tpu.memory_space<vmem>>, vector<1x64x2048xf32>,
      %mul3A_151 = arith.constant 2048 : i32
      %mul3A_152 = arith.muli %scan3A_113, %mul3A_151 : i32
      %dma_start3A_153 = tpu.memref_slice %arg13[%rem3A_116] : memref<2x!tpu.dma_semaphore, #tpu.memory_space<semaphore_mem>> -> memref<1x!tpu.dma_semaphore, #tpu.memory_space<semaphore_mem>>
      %dma_start3A_154 = tpu.memref_squeeze %dma_start3A_153 : memref<1x!tpu.dma_semaphore, #tpu.memory_space<semaphore_mem>> -> memref<!tpu.dma_semaphore, #tpu.memory_space<semaphore_mem>>
      %dma_start3A_155 = arith.constant 0 : i32
      %dma_start3A_156 = tpu.memref_slice %arg6[%dma_start3A_155, %mul3A_152] : memref<64x100000xf32, #tpu.memory_space<hbm>> -> memref<64x2048xf32, #tpu.memory_space<hbm>>
      %dma_start3A_157 = arith.constant 0 : i32
      %dma_start3A_158 = arith.constant 0 : i32
      %dma_start3A_159 = tpu.memref_slice %arg9[%rem3A_116, %dma_start3A_157, %dma_start3A_158] : memref<2x64x2048xf32, #tpu.memory_space<vmem>> -> memref<1x64x2048xf32, #tpu.memory_space<vmem>>
      %dma_start3A_160 = tpu.memref_squeeze %dma_start3A_159 : memref<1x64x2048xf32, #tpu.memory_space<vmem>> -> memref<64x2048xf32, #tpu.memory_space<vmem>>
      tpu.enqueue_dma source(%dma_start3A_160 : memref<64x2048xf32, #tpu.memory_space<vmem>>) target(%dma_start3A_156 : memref<64x2048xf32, #tpu.memory_space<hbm>>) target_semaphore(%dma_start3A_154 : memref<!tpu.dma_semaphore, #tpu.memory_space<semaphore_mem>>)
      %add3A_161 = arith.constant 4 : i32
      %add3A_162 = arith.addi %scan3A_113, %add3A_161 : i32
      %lt3A = arith.constant 48 : i32
      %lt3A_163 = arith.cmpi slt, %add3A_162, %lt3A : i32
      %convert_element_type3A_164 = arith.extui %lt3A_163 : i1 to i32
      %cond3A_165 = arith.constant 0 : i32
      %cond3A_166 = arith.cmpi ne, %convert_element_type3A_164, %cond3A_165 : i32
      scf.if %cond3A_166 {
        %add3A_173 = arith.constant 4 : i32
        %add3A_174 = arith.addi %scan3A_113, %add3A_173 : i32
        %mul3A_175 = arith.constant 2048 : i32
        %mul3A_176 = arith.muli %add3A_174, %mul3A_175 : i32
        %dma_start3A_177 = tpu.memref_slice %arg12[%rem3A_114] : memref<4x!tpu.dma_semaphore, #tpu.memory_space<semaphore_mem>> -> memref<1x!tpu.dma_semaphore, #tpu.memory_space<semaphore_mem>>
        %dma_start3A_178 = tpu.memref_squeeze %dma_start3A_177 : memref<1x!tpu.dma_semaphore, #tpu.memory_space<semaphore_mem>> -> memref<!tpu.dma_semaphore, #tpu.memory_space<semaphore_mem>>
        %dma_start3A_179 = arith.constant 0 : i32
        %dma_start3A_180 = arith.constant 0 : i32
        %dma_start3A_181 = tpu.memref_slice %arg8[%rem3A_114, %dma_start3A_179, %dma_start3A_180] : memref<4x512x2048xf32, #tpu.memory_space<vmem>> -> memref<1x512x2048xf32, #tpu.memory_space<vmem>>
        %dma_start3A_182 = tpu.memref_squeeze %dma_start3A_181 : memref<1x512x2048xf32, #tpu.memory_space<vmem>> -> memref<512x2048xf32, #tpu.memory_space<vmem>>
        %dma_start3A_183 = arith.constant 0 : i32
        %dma_start3A_184 = tpu.memref_slice %arg5[%dma_start3A_183, %mul3A_176] : memref<512x100000xf32, #tpu.memory_space<hbm>> -> memref<512x2048xf32, #tpu.memory_space<hbm>>
        tpu.enqueue_dma source(%dma_start3A_184 : memref<512x2048xf32, #tpu.memory_space<hbm>>) target(%dma_start3A_182 : memref<512x2048xf32, #tpu.memory_space<vmem>>) target_semaphore(%dma_start3A_178 : memref<!tpu.dma_semaphore, #tpu.memory_space<semaphore_mem>>)
      } else {
      }
      %add3A_167 = arith.constant 4 : i32
      %add3A_168 = arith.addi %scan3A_113, %add3A_167 : i32
      %eq3A = arith.constant 48 : i32
      %eq3A_169 = arith.cmpi eq, %add3A_168, %eq3A : i32
      %convert_element_type3A_170 = arith.extui %eq3A_169 : i1 to i32
      %cond3A_171 = arith.constant 0 : i32
      %cond3A_172 = arith.cmpi ne, %convert_element_type3A_170, %cond3A_171 : i32
      scf.if %cond3A_172 {
        %dma_start3A_173 = arith.constant 0 : i32
        %dma_start3A_174 = arith.constant 98304 : i32
        %dma_start3A_175 = tpu.memref_slice %arg5[%dma_start3A_173, %dma_start3A_174] : memref<512x100000xf32, #tpu.memory_space<hbm>> -> memref<512x1696xf32, #tpu.memory_space<hbm>>
        tpu.enqueue_dma source(%dma_start3A_175 : memref<512x1696xf32, #tpu.memory_space<hbm>>) target(%arg10 : memref<512x1696xf32, #tpu.memory_space<vmem>>) target_semaphore(%arg14 : memref<!tpu.dma_semaphore, #tpu.memory_space<semaphore_mem>>)
      } else {
      }
    }
    %scan3A_60 = arith.constant 48 : i32
    %dma_wait3A = arith.constant 0 : i32
    %dma_wait3A_61 = arith.constant 98304 : i32
    %dma_wait3A_62 = tpu.memref_slice %arg5[%dma_wait3A, %dma_wait3A_61] : memref<512x100000xf32, #tpu.memory_space<hbm>> -> memref<512x1696xf32, #tpu.memory_space<hbm>>
    tpu.wait_dma2 semaphore(%arg14 : memref<!tpu.dma_semaphore, #tpu.memory_space<semaphore_mem>>) src(%dma_wait3A_62 : memref<512x1696xf32, #tpu.memory_space<hbm>>) dst(%arg10 : memref<512x1696xf32, #tpu.memory_space<vmem>>)
    %dma_wait3A_63 = arith.constant 0 : i32
    %dma_wait3A_64 = arith.constant 0 : i32
    %dma_wait3A_65 = tpu.memref_slice %arg13[%dma_wait3A_64] : memref<2x!tpu.dma_semaphore, #tpu.memory_space<semaphore_mem>> -> memref<1x!tpu.dma_semaphore, #tpu.memory_space<semaphore_mem>>
    %dma_wait3A_66 = tpu.memref_squeeze %dma_wait3A_65 : memref<1x!tpu.dma_semaphore, #tpu.memory_space<semaphore_mem>> -> memref<!tpu.dma_semaphore, #tpu.memory_space<semaphore_mem>>
    %dma_wait3A_67 = arith.constant 0 : i32
    %dma_wait3A_68 = arith.constant 94208 : i32
    %dma_wait3A_69 = tpu.memref_slice %arg6[%dma_wait3A_67, %dma_wait3A_68] : memref<64x100000xf32, #tpu.memory_space<hbm>> -> memref<64x2048xf32, #tpu.memory_space<hbm>>
    %dma_wait3A_70 = arith.constant 0 : i32
    %dma_wait3A_71 = arith.constant 0 : i32
    %dma_wait3A_72 = tpu.memref_slice %arg9[%dma_wait3A_63, %dma_wait3A_70, %dma_wait3A_71] : memref<2x64x2048xf32, #tpu.memory_space<vmem>> -> memref<1x64x2048xf32, #tpu.memory_space<vmem>>
    %dma_wait3A_73 = tpu.memref_squeeze %dma_wait3A_72 : memref<1x64x2048xf32, #tpu.memory_space<vmem>> -> memref<64x2048xf32, #tpu.memory_space<vmem>>
    tpu.wait_dma2 semaphore(%dma_wait3A_66 : memref<!tpu.dma_semaphore, #tpu.memory_space<semaphore_mem>>) src(%dma_wait3A_73 : memref<64x2048xf32, #tpu.memory_space<vmem>>) dst(%dma_wait3A_69 : memref<64x2048xf32, #tpu.memory_space<hbm>>)
    %dma_wait3A_74 = arith.constant 1 : i32
    %dma_wait3A_75 = arith.constant 1 : i32
    %dma_wait3A_76 = tpu.memref_slice %arg13[%dma_wait3A_75] : memref<2x!tpu.dma_semaphore, #tpu.memory_space<semaphore_mem>> -> memref<1x!tpu.dma_semaphore, #tpu.memory_space<semaphore_mem>>
    %dma_wait3A_77 = tpu.memref_squeeze %dma_wait3A_76 : memref<1x!tpu.dma_semaphore, #tpu.memory_space<semaphore_mem>> -> memref<!tpu.dma_semaphore, #tpu.memory_space<semaphore_mem>>
    %dma_wait3A_78 = arith.constant 0 : i32
    %dma_wait3A_79 = arith.constant 96256 : i32
    %dma_wait3A_80 = tpu.memref_slice %arg6[%dma_wait3A_78, %dma_wait3A_79] : memref<64x100000xf32, #tpu.memory_space<hbm>> -> memref<64x2048xf32, #tpu.memory_space<hbm>>
    %dma_wait3A_81 = arith.constant 0 : i32
    %dma_wait3A_82 = arith.constant 0 : i32
    %dma_wait3A_83 = tpu.memref_slice %arg9[%dma_wait3A_74, %dma_wait3A_81, %dma_wait3A_82] : memref<2x64x2048xf32, #tpu.memory_space<vmem>> -> memref<1x64x2048xf32, #tpu.memory_space<vmem>>
    %dma_wait3A_84 = tpu.memref_squeeze %dma_wait3A_83 : memref<1x64x2048xf32, #tpu.memory_space<vmem>> -> memref<64x2048xf32, #tpu.memory_space<vmem>>
    tpu.wait_dma2 semaphore(%dma_wait3A_77 : memref<!tpu.dma_semaphore, #tpu.memory_space<semaphore_mem>>) src(%dma_wait3A_84 : memref<64x2048xf32, #tpu.memory_space<vmem>>) dst(%dma_wait3A_80 : memref<64x2048xf32, #tpu.memory_space<hbm>>)
    %get3A_85 = arith.constant 0 : index
    %get3A_86 = arith.constant 0 : index
    %get3A_87 = vector.load %arg7[%get3A_85, %get3A_86] : memref<64x512xf32, #tpu.memory_space<vmem>>, vector<64x512xf32>
    %get3A_88 = arith.constant 0 : index
    %get3A_89 = arith.constant 0 : index
    %get3A_90 = vector.load %arg10[%get3A_88, %get3A_89] : memref<512x1696xf32, #tpu.memory_space<vmem>>, vector<512x1696xf32>
    %dot_general3A_91 = arith.constant dense<0.000000e+00> : vector<64x1696xf32>
    %dot_general3A_92 = tpu.matmul %get3A_87, %get3A_90, %dot_general3A_91 {dimension_numbers = #tpu.dot_dimension_numbers<[1], [0], [0], [1], [0, 0, 1, 1], [], []>, transpose_lhs_hint = false} : vector<64x512xf32>, vector<512x1696xf32>, vector<64x1696xf32> -> vector<64x1696xf32>
    %get3A_93 = arith.constant 0 : index
    %get3A_94 = arith.constant 0 : index
    %get3A_95 = vector.load %arg4[%get3A_93, %get3A_94] : memref<1x1696xf32, #tpu.memory_space<vmem>>, vector<1x1696xf32>
    %add3A_96 = vector.broadcast %get3A_95 : vector<1x1696xf32> to vector<64x1696xf32>
    %add3A_97 = arith.addf %dot_general3A_92, %add3A_96 : vector<64x1696xf32>
    %swap3A_98 = arith.constant 0 : index
    %swap3A_99 = arith.constant 0 : index
    %swap3A_100 = vector.load %arg11[%swap3A_98, %swap3A_99] : memref<64x1696xf32, #tpu.memory_space<vmem>>, vector<64x1696xf32>
    tpu.vector_store %arg11[%swap3A_98, %swap3A_99], %add3A_97 {strides = array<i32>} : memref<64x1696xf32, #tpu.memory_space<vmem>>, vector<64x1696xf32>,
    %dma_start3A_101 = arith.constant 0 : i32
    %dma_start3A_102 = tpu.memref_slice %arg13[%dma_start3A_101] : memref<2x!tpu.dma_semaphore, #tpu.memory_space<semaphore_mem>> -> memref<1x!tpu.dma_semaphore, #tpu.memory_space<semaphore_mem>>
    %dma_start3A_103 = tpu.memref_squeeze %dma_start3A_102 : memref<1x!tpu.dma_semaphore, #tpu.memory_space<semaphore_mem>> -> memref<!tpu.dma_semaphore, #tpu.memory_space<semaphore_mem>>
    %dma_start3A_104 = arith.constant 0 : i32
    %dma_start3A_105 = arith.constant 98304 : i32
    %dma_start3A_106 = tpu.memref_slice %arg6[%dma_start3A_104, %dma_start3A_105] : memref<64x100000xf32, #tpu.memory_space<hbm>> -> memref<64x1696xf32, #tpu.memory_space<hbm>>
    tpu.enqueue_dma source(%arg11 : memref<64x1696xf32, #tpu.memory_space<vmem>>) target(%dma_start3A_106 : memref<64x1696xf32, #tpu.memory_space<hbm>>) target_semaphore(%dma_start3A_103 : memref<!tpu.dma_semaphore, #tpu.memory_space<semaphore_mem>>)
    %dma_wait3A_107 = arith.constant 0 : i32
    %dma_wait3A_108 = tpu.memref_slice %arg13[%dma_wait3A_107] : memref<2x!tpu.dma_semaphore, #tpu.memory_space<semaphore_mem>> -> memref<1x!tpu.dma_semaphore, #tpu.memory_space<semaphore_mem>>
    %dma_wait3A_109 = tpu.memref_squeeze %dma_wait3A_108 : memref<1x!tpu.dma_semaphore, #tpu.memory_space<semaphore_mem>> -> memref<!tpu.dma_semaphore, #tpu.memory_space<semaphore_mem>>
    %dma_wait3A_110 = arith.constant 0 : i32
    %dma_wait3A_111 = arith.constant 98304 : i32
    %dma_wait3A_112 = tpu.memref_slice %arg6[%dma_wait3A_110, %dma_wait3A_111] : memref<64x100000xf32, #tpu.memory_space<hbm>> -> memref<64x1696xf32, #tpu.memory_space<hbm>>
    tpu.wait_dma2 semaphore(%dma_wait3A_109 : memref<!tpu.dma_semaphore, #tpu.memory_space<semaphore_mem>>) src(%arg11 : memref<64x1696xf32, #tpu.memory_space<vmem>>) dst(%dma_wait3A_112 : memref<64x1696xf32, #tpu.memory_space<hbm>>)
    return
  }
}

</mosaic_0001>

<sc_bundles>
// kernel: kernel.4.cloned.1.call-start
scs
__scs_entry_jumppad:
0x0: {  	(pc) =	sbr.rel $0x88, $3  }
0x1: {  	(tag) =	ssettag $0x0;
	lr =	simm.s32 $0x1  }
0x2: {  	[smem:$0x3F9B] =	sst lr;
	_ =	strace $0xD0000000  }
0x3: {  	_ = 	snop  }
0x4: {  	_ = 	snop  }
0x5: {  	_ = 	snop  }
0x6: {  	_ = 	snop  }
0x7: {  	_ = 	snop  }
__scs_overlays_trampoline_lowered:
0x8: {  	[smem:$0x3FAA] =	sst s0  }
0x9: {  	[smem:$0x3FAB] =	sst s1  }
0xa: {  	[smem:$0x3FAC] =	sst s2  }
0xb: {  	[smem:$0x3FAD] =	sst s3  }
0xc: {  	[smem:$0x3FAE] =	sst s4  }
0xd: {  	[smem:$0x3FAF] =	sst s5  }
0xe: {  	[smem:$0x3FB0] =	sst s6  }
0xf: {  	[smem:$0x3FB1] =	sst s7  }
0x10: {  	[smem:$0x3FB2] =	sst s8  }
0x11: {  	[smem:$0x3FB3] =	sst s9;
	s0 =	simm.s32 @!p0 $0x0  }
0x12: {  	s1 =	sld [smem:$0x3F99];
	s0 =	simm.s32 @p0 $0x1  }
0x13: {  	[smem:$0x3FB4] =	sst s0;
	s0 =	simm.s32 @!p1 $0x0  }
0x14: {  	s2 =	sld [smem:$0x3F98];
	s0 =	simm.s32 @p1 $0x1  }
0x15: {  	[smem:$0x3FB5] =	sst s0;
	s0 =	simm.s32 @!p2 $0x0  }
0x16: {  	s3 =	sld [smem:$0x3FDB];
	s0 =	simm.s32 @p2 $0x1  }
0x17: {  	s4 =	simm.s32 $0x1BF5;
	[smem:$0x3FB7] =	sst s0  }
0x18: {  	s0 =	sld [smem:$0x3F9A];
	_ =	swait.ge [sflag:s4], $0x0  }
0x19: {  	s7 =	sld [smem:$0x3F9B]  }
0x1a: {  	s8 =	sadd.s32 $0xFFFFE003, lr  }
0x1b: {  	s9 =	sadd.s32 $0xFFFFFEF7, lr;
	s5 =	simm.s32 $0xFFFFFFFF;
	p2 =	slt.u32 s8, $0xFFFFF086  }
0x1c: {  	p1 =	slt.u32 s9, $0xF7A;
	s5 =	simm.s32 @!p2 $0x0  }
0x1d: {  	s5 =	simm.s32 @p1 $0x1;
	p0 =	seq.s32 s7, s2  }
0x1e: {  	s7 =	smul.u32 @!p0 $0xF7A, s2;
	p2 =	seq.s32 @!p0 s5, $0x0  }
0x1f: {  	s9 =	smul.u32 $0xF7A, s1;
	s8 =	simm.s32 @!p0 $0x1BF5;
	p2 =	por !p2, p0  }
0x20: {  	[sflag:s8] =	ssyncset.s32 @!p0 $0xFFFFF086;
	s6 =	sadd.s32 @!p0 s3, s7;
	s7 =	simm.s32 @!p0 $0x108  }
0x21: {  	s3 =	sadd.s32 s3, s9;
	s6 =	sadd.s32 @!p0 $0x88, s6;
	s7 =	simm.s32 @p2 $0x1082  }
0x22: {  	[simem:s7], [sflag:s8] =	dma.local @!p0 [hbm:s6], $0xF7A  }
0x23: {  	s9 =	sor.u32 $0xD0000000, s2;
	s6 =	simm.s32 $0x108;
	_ =	swait.ge @!p0 [sflag:s8], $0x0  }
0x24: {  	s3 =	sadd.s32 $0x88, s3;
	s6 =	simm.s32 @!p1 $0x1082;
	[sflag:s4] =	ssyncset.s32 $0xFFFFF086  }
0x25: {  	[simem:s6], [sflag:s4] =	dma.local [hbm:s3], $0xF7A  }
0x26: {  	[smem:$0x3F9B] =	sst s1;
	(tag) =	ssettag s2;
	_ =	strace s9  }
0x27: {  	s1 =	sld [smem:$0x3FAB]  }
0x28: {  	s2 =	sld [smem:$0x3FAC]  }
0x29: {  	s4 =	sld [smem:$0x3FAE]  }
0x2a: {  	p0 =	seq.s32 s5, $0x0;
	s5 =	sld [smem:$0x3FAF]  }
0x2b: {  	s6 =	sld [smem:$0x3FB0]  }
0x2c: {  	s7 =	sld [smem:$0x3FB1]  }
0x2d: {  	s3 =	simm.s32 $0x108;
	s8 =	sld [smem:$0x3FB2]  }
0x2e: {  	s3 =	simm.s32 @!p0 $0x1082;
	s9 =	sld [smem:$0x3FB3]  }
0x2f: {  	lr =	sadd.s32 s0, s3;
	s0 =	sld [smem:$0x3FAA]  }
0x30: {  	s3 =	sld [smem:$0x3FAD]  }
0x31: {  	[smem:$0x3FB6] =	sst s10  }
0x32: {  	s10 =	sld [smem:$0x3FB4];
	_ =	sdelay $0x3  }
0x33: {  	p0 =	seq.s32 s10, $0x1;
	s10 =	sld [smem:$0x3FB6];
	_ =	sdelay $0x3  }
0x34: {  	[smem:$0x3FB6] =	sst s10  }
0x35: {  	s10 =	sld [smem:$0x3FB5];
	_ =	sdelay $0x3  }
0x36: {  	p1 =	seq.s32 s10, $0x1;
	s10 =	sld [smem:$0x3FB6];
	_ =	sdelay $0x3  }
0x37: {  	[smem:$0x3FB6] =	sst s10  }
0x38: {  	s10 =	sld [smem:$0x3FB7]  }
0x39: {  	_ = 	snop;
	(pc) =	sbr.ind lr, $3  }
0x3a: {  	_ = 	snop  }
0x3b: {  	_ = 	snop  }
0x3c: {  	p2 =	seq.s32 s10, $0x1;
	s10 =	sld [smem:$0x3FB6]  }
0x3d: {  	_ =	shalt  }
0x3e: {  	_ =	shalt  }
0x3f: {  	_ =	shalt  }
0x40: {  	_ =	shalt  }
0x41: {  	_ =	shalt  }
0x42: {  	_ =	shalt  }
0x43: {  	_ =	shalt  }
0x44: {  	_ =	shalt  }
0x45: {  	_ =	shalt  }
0x46: {  	_ =	shalt  }
0x47: {  	_ =	shalt  }
0x48: {  	_ =	shalt  }
0x49: {  	_ =	shalt  }
0x4a: {  	_ =	shalt  }
0x4b: {  	_ =	shalt  }
0x4c: {  	_ =	shalt  }
0x4d: {  	_ =	shalt  }
0x4e: {  	_ =	shalt  }
0x4f: {  	_ =	shalt  }
0x50: {  	_ =	shalt  }
0x51: {  	_ =	shalt  }
0x52: {  	_ =	shalt  }
0x53: {  	_ =	shalt  }
0x54: {  	_ =	shalt  }
0x55: {  	_ =	shalt  }
0x56: {  	_ =	shalt  }
0x57: {  	_ =	shalt  }
0x58: {  	_ =	shalt  }
0x59: {  	_ =	shalt  }
0x5a: {  	_ =	shalt  }
0x5b: {  	_ =	shalt  }
0x5c: {  	_ =	shalt  }
0x5d: {  	_ =	shalt  }
0x5e: {  	_ =	shalt  }
0x5f: {  	_ =	shalt  }
0x60: {  	_ =	shalt  }
0x61: {  	_ =	shalt  }
0x62: {  	_ =	shalt  }
0x63: {  	_ =	shalt  }
0x64: {  	_ =	shalt  }
0x65: {  	_ =	shalt  }
0x66: {  	_ =	shalt  }
0x67: {  	_ =	shalt  }
0x68: {  	_ =	shalt  }
0x69: {  	_ =	shalt  }
0x6a: {  	_ =	shalt  }
0x6b: {  	_ =	shalt  }
0x6c: {  	_ =	shalt  }
0x6d: {  	_ =	shalt  }
0x6e: {  	_ =	shalt  }
0x6f: {  	_ =	shalt  }
0x70: {  	_ =	shalt  }
0x71: {  	_ =	shalt  }
0x72: {  	_ =	shalt  }
0x73: {  	_ =	shalt  }
0x74: {  	_ =	shalt  }
0x75: {  	_ =	shalt  }
0x76: {  	_ =	shalt  }
0x77: {  	_ =	shalt  }
0x78: {  	_ =	shalt  }
0x79: {  	_ =	shalt  }
0x7a: {  	_ =	shalt  }
0x7b: {  	_ =	shalt  }
0x7c: {  	_ =	shalt  }
0x7d: {  	_ =	shalt  }
0x7e: {  	_ =	shalt  }
0x7f: {  	_ =	shalt  }
0x80: {  	_ =	shalt  }
0x81: {  	_ =	shalt  }
0x82: {  	_ =	shalt  }
0x83: {  	_ =	shalt  }
0x84: {  	_ =	shalt  }
0x85: {  	_ =	shalt  }
0x86: {  	_ =	shalt  }
0x87: {  	_ =	shalt  }
.Lfunc_end0:
.L_simem_size_0:
called_computation_lowered:
.L_overlay_start_0:
0x88: {  	s2 =	sld [smem:$0x3FD9]  }
0x89: {  	s3 =	sld [smem:$0x3FFE];
	_ =	sdelay $0x1  }
0x8a: {  	s1 =	srdreg.scid  }
0x8b: {  	s0 =	sand.u32 $0x1, s1  }
0x8c: {  	s17 =	sshll.u32 s0, $0xA;
	s2 =	sadd.s32 s3, s2  }
0x8d: {  	s2 =	sadd.s32 s2, s17  }
0x8e: {  	[smem:$0x3FC2] =	sst s2  }
0x8f: {  	_ = 	snop  }
0x90: {  	s2 =	sld [smem:$0x3FD0];
	(tm) =	ssettm $0x1  }
0x91: {  	s18 =	sld [smem:$0x3FFB];
	_ =	sdelay $0x3  }
0x92: {  	_ =	strace s18  }
0x93: {  	s3 =	sld [smem:$0x3FFC];
	_ =	sdelay $0x3  }
0x94: {  	_ =	strace s3  }
0x95: {  	s3 =	sld [smem:$0x3FFD];
	_ =	sdelay $0x3  }
0x96: {  	_ =	strace s3  }
0x97: {  	_ =	strace $0x8FFFFFFF  }
0x98: {  	s19 =	sld [smem:$0x3FDB];
	_ =	sdelay $0x1  }
0x99: {  	s4 =	simm.s32 $_scs_section_size  }
0x9a: {  	s5 =	simm.s32 $_size__tile_overlayer_lowered;
	s6 =	simm.s32 $_tile_overlayer_lowered  }
0x9b: {  	s22 =	simm.s32 $0x1BFF;
	s21 =	sshll.u32 s6, $0x1;
	s3 =	sadd.s32 s4, s19  }
0x9c: {  	s7 =	simm.s32 $0x0;
	s20 =	sshll.u32 s5, $0x1;
	s5 =	sadd.s32 s21, s3  }
0x9d: {  	[timem:s7], [sflag:s22] =	dma.local [hbm:s5], s20  }
0x9e: {  	_ =	swait.ge [sflag:s22], s20  }
0x9f: {  	s4 =	ssub.s32 $0x0, s20;
	[sflag:s22] =	ssyncset.done $0x0  }
0xa0: {  	[sflag:s22] =	ssyncadd.s32 s4;
	_ =	sdelay $0x1  }
0xa1: {  	s23 =	simm.s32 $0x1B8B  }
0xa2: {  	_ =	swait.ge [sflag:s23], $0x1  }
0xa3: {  	[sflag:s23] =	ssyncset.done $0x0  }
0xa4: {  	s25 =	simm.s32 $0x1B8E;
	s24 =	sld [smem:$0x3FFE];
	[sflag:s23] =	ssyncadd.s32 $0xFFFFFFFF  }
0xa5: {  	s26 =	simm.s32 $execute0_lowered;
	[smem:$0x3FD2] =	sst s25  }
0xa6: {  	s5 =	sshll.u32 s26, $0x1;
	_ =	strace $0x80000046;
	[dreg:$0x1] =	wrdreg $0xFFFFFFFF  }
0xa7: {  	s28 =	simm.s32 $_size_execute0_lowered;
	s3 =	sadd.s32 s3, s5;
	[dreg:$0x0] =	wrdreg $0x0  }
0xa8: {  	s5 =	sshll.u32 s28, $0x1;
	[dreg:$0x2] =	wrdreg s3  }
0xa9: {  	[dreg:$0x3] =	wrdreg s5  }
0xaa: {  	[dreg:$0x4] =	wrdreg $0xC0  }
0xab: {  	_ =	task [dreg:s7], $0x5FFFF  }
0xac: {  	[dreg:$0x1] =	wrdreg $0xFFFFFFFF  }
0xad: {  	[dreg:$0x0] =	wrdreg $0x60  }
0xae: {  	[dreg:$0x2] =	wrdreg s2  }
0xaf: {  	[dreg:$0x3] =	wrdreg s24  }
0xb0: {  	[dreg:$0x4] =	wrdreg $0x9  }
0xb1: {  	_ =	task.clear_ibuf [dreg:s7], $0x5FFFF;
	_ =	strace $0x90000046  }
0xb2: {  	s29 =	simm.s32 $0x9;
	_ =	strace $0x80000048  }
0xb3: {  	_ =	swait.ge [sflag:s29], $0x1  }
0xb4: {  	[sflag:s29] =	ssyncadd.s32 $0xFFFFFFFF  }
0xb5: {  	_ =	strace $0x90000048  }
0xb6: {  	_ =	sfence  }
0xb7: {  	s30 =	sld [smem:$0x0];
	_ =	sdelay $0x2  }
0xb8: {  	s31 =	sshll.u32 s1, $0xD;
	s1 =	sshrl.u32 s1, $0x2  }
0xb9: {  	s3 =	sand.u32 $0x4000, s31;
	s1 =	sadd.s32 s1, s30  }
0xba: {  	s0 =	sor.u32 s3, s0;
	s1 =	sshll.u32 s1, $0x11  }
0xbb: {  	s0 =	sor.u32 s1, s0  }
0xbc: {  	s0 =	sadd.s32 $0x8F2B, s0  }
0xbd: {  	[sflag:s0] =	ssyncadd.remote.s32 $0x1  }
0xbe: {  	_ =	sfence.sel $0xFFFF  }
0xbf: {  	[dreg:$0x0] =	wrdreg $0xFFFFFFFF;
	(pc) =	sbr.abs _section_cstart, $3  }
0xc0: {  	[dreg:$0x1] =	wrdreg $0xFFFFFFFF  }
0xc1: {  	_ =	task.clear_ibuf [dreg:s7], $0x2FFFF;
	_ =	strace $0x9FFFFFFF  }
0xc2: {  	(tm) =	ssettm $0x7FFFFFFF  }
0xc3: {  	_ =	shalt  }
tec
execute0_lowered:
.L_overlay_start_1:
0x0: {  	(tag) =	ssettag $0x1  }
0x1: {  	s1 =	srdreg.scid  }
0x2: {  	s0 =	stileid.u32;
	s6 =	sand.u32 $0x1, s1  }
0x3: {  	s2 =	rddreg [dreg:$0x0];
	s30 =	sshll.u32 s0, $0x5;
	s3 =	sshll.u32 s6, $0x4  }
0x4: {  	s8 =	rddreg [dreg:$0x1];
	s7 =	simm.s32 $0x1;
	s9 =	sor.u32 s3, s30  }
0x5: {  	s1 =	rddreg [dreg:$0x2];
	s3 =	simm.s32 $0x0;
	s4 =	sshrl.u32 s9, $0x3  }
0x6: {  	s10 =	ssub.s32 $0x2, s6;
	[smem:$0x7FF] =	sst s3;
	s4 =	sadd.s32 s4, s8  }
0x7: {  	_ =	strace $0x80000047;
	s5 =	sadd.s32 $0xA00, s4;
	s4 =	simm.s32 $0x2  }
0x8: {  	[tilespmem:s3], [sflag:$0x2] =	stream.linear.gather [hbm4b:s5+s3], $0x10, $0x38;
	[tilespmem:$0x410] =	vst v63  }
0x9: {  	s6 =	simm.s32 $0x10;
	s11 =	sshrl.u32 s10, $0x1;
	_ =	swait.ge [sflag:s4], $0x10  }
0xa: {  	s9 =	sshll.u32 s9, $0x3;
	s31 =	ssub.s32 s10, s11;
	[sflag:s4] =	ssyncset.done $0x0  }
0xb: {  	s8 =	sadd.s32 s9, s8;
	s9 =	smax.u32 s31, $0x1;
	[sflag:s4] =	ssyncadd.s32 $0xFFFFFFF0  }
0xc: {  	[tilespmem:s6], [sflag:$0x1] =	stream.indirect.gather [hbm4b:s2+s6], $0x40, s3, s6, $0xb8;
	[tilespmem:$0x410] =	vst v63  }
0xd: {  	p0 =	sne.s32 s9, $0x1;
	_ =	swait.ge [sflag:s7], $0x400  }
.Ltmp0:
0xe: {  	[sflag:s7] =	ssyncset.done $0x0;
	(pc) =	sbr.rel @!p0 .LBB2_2-.Ltmp0, $4  }
0xf: {  	s8 =	sadd.s32 $0xC00, s8;
	[sflag:s7] =	ssyncadd.s32 $0xFFFFFC00  }
0x10: {  	[hbm4b:s8+s3] =	stream.linear.scatter [tilespmem:s6], [sflag:$0x2], $0x400, $0x38;
	[tilespmem:$0x410] =	vst v63  }
0x11: {  	_ =	swait.ge [sflag:s4], $0x400  }
0x12: {  	s9 =	sadd.s32 $0xFFFFFFFF, s9;
	[sflag:s4] =	ssyncset.done $0x0  }
.LBB2_1:
0x13: {  	p0 =	sne.s32 s9, $0x1;
	s9 =	sadd.s32 $0xFFFFFFFF, s9;
	[sflag:s4] =	ssyncadd.s32 $0xFFFFFC00  }
0x14: {  	[tilespmem:s3], [sflag:$0x2] =	stream.linear.gather [hbm4b:s5+s3], $0x10, $0x38;
	[tilespmem:$0x410] =	vst v63  }
0x15: {  	_ =	swait.ge [sflag:s4], $0x10  }
0x16: {  	[sflag:s4] =	ssyncset.done $0x0  }
0x17: {  	[sflag:s4] =	ssyncadd.s32 $0xFFFFFFF0  }
0x18: {  	[tilespmem:s6], [sflag:$0x1] =	stream.indirect.gather [hbm4b:s2+s6], $0x40, s3, s6, $0xb8;
	[tilespmem:$0x410] =	vst v63  }
0x19: {  	_ =	swait.ge [sflag:s7], $0x400  }
.Ltmp1:
0x1a: {  	[sflag:s7] =	ssyncset.done $0x0;
	(pc) =	sbr.rel @p0 .LBB2_1-.Ltmp1, $4  }
0x1b: {  	[sflag:s7] =	ssyncadd.s32 $0xFFFFFC00  }
0x1c: {  	[hbm4b:s8+s3] =	stream.linear.scatter [tilespmem:s6], [sflag:$0x2], $0x400, $0x38;
	[tilespmem:$0x410] =	vst v63  }
0x1d: {  	_ =	swait.ge [sflag:s4], $0x400  }
0x1e: {  	[sflag:s4] =	ssyncset.done $0x0  }
.LBB2_2:
0x1f: {  	[sflag:s4] =	ssyncadd.s32 $0xFFFFFC00  }
0x20: {  	_ =	sfence.sel $0x180000  }
0x21: {  	[bflag:$0x0] =	sbarrier.arrive $0xFFFF  }
0x22: {  	p0 =	sne.s32 s0, $0x0;
	_ =	strace $0x90000047  }
0x23: {  	s0 =	sadd.s32 @!p0 $0x100000, s1;
	[bflag:$0x2] =	sbarrier.arrive $0xFFFF  }
0x24: {  	[sflag:s0] =	ssyncadd.tile.s32 @!p0 $0x1;
	_ =	shalt  }
.Lfunc_end2:
_tile_overlayer_lowered:
.L_overlay_start_2:
0x25: {  	(tag) =	ssettag $0x2  }
0x26: {  	s0 =	rddreg [dreg:$0x0];
	s2 =	stileid.u32  }
0x27: {  	s1 =	rddreg [dreg:$0x1];
	p0 =	sne.s32 s2, $0x0  }
0x28: {  	s3 =	rddreg [dreg:$0x2];
	[bflag:$0x3] =	sbarrier.arrive $0xFFFF;
	s2 =	simm.s32 @!p0 $0x1C02  }
0x29: {  	[timem:s3], [sflag:s2] =	dma.local @!p0 [hbm:s0], s1  }
0x2a: {  	s0 =	simm.s32 @!p0 $0x2  }
0x2b: {  	_ =	swait.ge @!p0 [sflag:s0], s1  }
0x2c: {  	s1 =	ssub.s32 @!p0 $0x0, s1;
	[sflag:s0] =	ssyncset.done @!p0 $0x0  }
0x2d: {  	[sflag:s0] =	ssyncadd.s32 @!p0 s1  }
0x2e: {  	[bflag:$0x3] =	sbarrier.arrive $0xFFFF  }
0x2f: {  	_ =	shalt  }

</sc_bundles>
